<compile_context>
chip_gen: v7x
topology: tpu7x:2x2x1
jax: 0.10.2.dev20260603
libtpu: 0.0.44.dev20260713+nightly
codegen_flags: <defaults>
</compile_context>

<pallas_src>
import functools
import math

import jax
import jax.numpy as jnp
from jax import lax
from jax.experimental import pallas as pl
from jax.experimental.pallas import tpu as pltpu
from jax.experimental.pallas import tpu_sc as plsc

_RATIO = 0.25
_K = 32
_NUM_FREQ = 10


_FPS_R, _FPS_C = 80, 128
_OUT_R = 20


def _fps_body(n, n_samples, p3_ref, pr_ref, idx_ref, qx_ref, qy_ref, qz_ref):
    px = p3_ref[0]
    py = p3_ref[1]
    pz = p3_ref[2]
    ii = (
        jax.lax.broadcasted_iota(jnp.int32, (_FPS_R, _FPS_C), 0) * _FPS_C
        + jax.lax.broadcasted_iota(jnp.int32, (_FPS_R, _FPS_C), 1)
    )
    io = (
        jax.lax.broadcasted_iota(jnp.int32, (_OUT_R, _FPS_C), 0) * _FPS_C
        + jax.lax.broadcasted_iota(jnp.int32, (_OUT_R, _FPS_C), 1)
    )
    valid = ii < n

    def coords_at(j):
        row = pr_ref[j]
        return row[0], row[1], row[2]

    def dist_to(ax, ay, az):
        dx = px - ax
        dy = py - ay
        dz = pz - az
        return (dx * dx + dy * dy) + dz * dz

    ax0, ay0, az0 = coords_at(jnp.int32(0))
    d0 = dist_to(ax0, ay0, az0)
    dists0 = jnp.where(valid, d0, -jnp.inf)

    idx0 = jnp.zeros((_OUT_R, _FPS_C), jnp.int32)
    oh0 = io == 0
    qx0 = jnp.where(oh0, ax0, 0.0)
    qy0 = jnp.where(oh0, ay0, 0.0)
    qz0 = jnp.where(oh0, az0, 0.0)

    def body(i, state):
        dists, idxs, qx, qy, qz = state
        m = jnp.max(dists)
        nxt = jnp.min(jnp.where(dists == m, ii, jnp.int32(2**30)))
        ax, ay, az = coords_at(nxt)
        d = dist_to(ax, ay, az)
        dists = jnp.minimum(dists, d)
        oh = io == i
        idxs = jnp.where(oh, nxt, idxs)
        qx = jnp.where(oh, ax, qx)
        qy = jnp.where(oh, ay, qy)
        qz = jnp.where(oh, az, qz)
        return (dists, idxs, qx, qy, qz)

    _, idxs, qx, qy, qz = jax.lax.fori_loop(
        1, n_samples, body, (dists0, idx0, qx0, qy0, qz0)
    )
    idx_ref[...] = idxs
    qx_ref[...] = qx
    qy_ref[...] = qy
    qz_ref[...] = qz


def _fps(pos, n_samples):
    N = pos.shape[0]
    npad = _FPS_R * _FPS_C
    p3 = jnp.zeros((3, npad), jnp.float32)
    p3 = p3.at[:, :N].set(pos.T).reshape(3, _FPS_R, _FPS_C)
    pr = jnp.zeros((npad, 8), jnp.float32).at[:N, :3].set(pos)
    out_shapes = [
        jax.ShapeDtypeStruct((_OUT_R, _FPS_C), jnp.int32),
        jax.ShapeDtypeStruct((_OUT_R, _FPS_C), jnp.float32),
        jax.ShapeDtypeStruct((_OUT_R, _FPS_C), jnp.float32),
        jax.ShapeDtypeStruct((_OUT_R, _FPS_C), jnp.float32),
    ]
    idxs, qx, qy, qz = pl.pallas_call(
        functools.partial(_fps_body, N, n_samples),
        out_shape=out_shapes,
    )(p3, pr)
    idx = idxs.reshape(-1)[:n_samples]
    pos_qp = jnp.stack([qx.reshape(-1), qy.reshape(-1), qz.reshape(-1)], axis=1)
    return idx, pos_qp


_KQB = 128


def _knn_body(n, p4_ref, qx_ref, qy_ref, qz_ref, col_ref, d2_ref):
    f32 = jnp.float32
    p4 = p4_ref[...]
    qx = qx_ref[0]
    qy = qy_ref[0]
    qz = qz_ref[0]
    q4 = jnp.concatenate(
        [qx, qy, qz, jnp.zeros((1, _KQB), f32)], axis=0)
    pp = jnp.sum(p4 * p4, axis=1, keepdims=True)
    qq = qx * qx + qy * qy + qz * qz
    mm = jnp.dot(p4, q4, preferred_element_type=f32)
    d2_ref[...] = pp + qq - 2.0 * mm

    npd = p4.shape[0]
    ci = jax.lax.broadcasted_iota(jnp.int32, (npd, _KQB), 0)
    jo = jax.lax.broadcasted_iota(jnp.int32, (_K, _KQB), 0)

    def it(j, colacc):
        d2 = d2_ref[...]
        idxq = jnp.argmin(d2, axis=0).astype(jnp.int32)[None, :]
        d2_ref[...] = jnp.where(ci == idxq, jnp.float32(jnp.inf), d2)
        return jnp.where(jo == j, idxq, colacc)

    colacc = jax.lax.fori_loop(
        0, _K, it, jnp.zeros((_K, _KQB), jnp.int32))
    col_ref[...] = colacc


def _knn(pos, pos_qp, n):
    npd = _FPS_R * _FPS_C
    p4 = jnp.full((npd, 4), 1e18, jnp.float32)
    p4 = p4.at[:n, :3].set(pos).at[:, 3].set(0.0)
    qx = pos_qp[:, 0].reshape(_OUT_R, 1, _FPS_C)
    qy = pos_qp[:, 1].reshape(_OUT_R, 1, _FPS_C)
    qz = pos_qp[:, 2].reshape(_OUT_R, 1, _FPS_C)
    rep = lambda i: (0, 0)
    colb = pl.pallas_call(
        functools.partial(_knn_body, n),
        grid=(_OUT_R,),
        in_specs=[
            pl.BlockSpec((npd, 4), rep),
            pl.BlockSpec((1, 1, _FPS_C), lambda i: (i, 0, 0)),
            pl.BlockSpec((1, 1, _FPS_C), lambda i: (i, 0, 0)),
            pl.BlockSpec((1, 1, _FPS_C), lambda i: (i, 0, 0)),
        ],
        out_specs=pl.BlockSpec((_K, _KQB), lambda i: (i, 0)),
        out_shape=jax.ShapeDtypeStruct((_OUT_R * _K, _KQB), jnp.int32),
        scratch_shapes=[pltpu.VMEM((npd, _KQB), jnp.float32)],
    )(p4, qx, qy, qz)
    col = colb.reshape(_OUT_R, _K, _KQB).transpose(0, 2, 1).reshape(_BQ, _K)
    return col


def _xw_body(x_ref, w_ref, o_ref):
    xw = jnp.dot(x_ref[...], w_ref[...], preferred_element_type=jnp.float32)
    o_ref[...] = jnp.concatenate(
        [xw, jnp.zeros((xw.shape[0], 64), jnp.float32)], axis=1)


_NC, _NS = 2, 16
_NW = _NC * _NS
_BQ = 2560
_BE = _BQ * _K
_BPW = _BE // _NW
_CH = 128
_NCH = _BPW // _CH


def _sc_gather_body(tab_hbm, col_hbm, xg_hbm, idx_v, row_v, sem):
    wid = lax.axis_index("s") * _NC + lax.axis_index("c")
    base = wid * _BPW

    def chunk(ci, carry):
        off = base + ci * _CH
        pltpu.sync_copy(col_hbm.at[pl.ds(off, _CH)], idx_v)
        pltpu.async_copy(tab_hbm.at[idx_v], row_v, sem).wait()
        pltpu.sync_copy(row_v, xg_hbm.at[pl.ds(off, _CH)])
        return carry

    lax.fori_loop(0, _NCH, chunk, 0)


def _sc_gather(tab, col):
    mesh = plsc.VectorSubcoreMesh(core_axis_name="c", subcore_axis_name="s",
                                  num_cores=_NC, num_subcores=_NS)
    f = pl.kernel(
        _sc_gather_body,
        out_type=jax.ShapeDtypeStruct((_BE, 128), jnp.float32),
        mesh=mesh,
        scratch_types=[
            pltpu.VMEM((_CH,), jnp.int32),
            pltpu.VMEM((_CH, 128), jnp.float32),
            pltpu.SemaphoreType.DMA,
        ],
        compiler_params=pltpu.CompilerParams(use_tc_tiling_on_sc=True),
    )
    return f(tab, col)


_QB = 128
_EB = _QB * _K


def _edge_body(xgp_ref, qe_ref, em_ref, ws_ref, wc_ref, wd_ref,
               b0_ref, w1_ref, b1_ref, wg_ref, bg_ref, out_ref):
    f32 = jnp.float32
    xgp = xgp_ref[...]
    xg = lax.slice(xgp, (0, 0), (_EB, 64))
    pg = lax.slice(xgp, (0, 64), (_EB, 80))
    pd = pg - qe_ref[...]
    scaled = jnp.dot(pd, em_ref[...], preferred_element_type=f32,
                     precision=lax.Precision.HIGHEST)
    s = jnp.sin(scaled)
    c = jnp.cos(scaled)
    h = (xg
         + jnp.dot(s, ws_ref[...], preferred_element_type=f32)
         + jnp.dot(c, wc_ref[...], preferred_element_type=f32)
         + jnp.dot(pd, wd_ref[...], preferred_element_type=f32,
                   precision=lax.Precision.HIGHEST)
         + b0_ref[...])
    h = jnp.maximum(h, 0.0)
    h = jnp.dot(h, w1_ref[...], preferred_element_type=f32) + b1_ref[...]
    seg = jnp.max(h.reshape(_QB, _K, 64), axis=1)
    out_ref[...] = (jnp.dot(seg, wg_ref[...], preferred_element_type=f32)
                    + bg_ref[...])


def _edge_pipeline(xgp, qe, em, ws, wc, wd, b0, w1, b1, wg, bg):
    grid = _BQ // _QB
    rep = lambda i: (0, 0)
    return pl.pallas_call(
        _edge_body,
        grid=(grid,),
        in_specs=[
            pl.BlockSpec((_EB, 128), lambda i: (i, 0)),
            pl.BlockSpec((_EB, 16), lambda i: (i, 0)),
            pl.BlockSpec((16, 32), rep),
            pl.BlockSpec((32, 64), rep),
            pl.BlockSpec((32, 64), rep),
            pl.BlockSpec((16, 64), rep),
            pl.BlockSpec((1, 64), rep),
            pl.BlockSpec((64, 64), rep),
            pl.BlockSpec((1, 64), rep),
            pl.BlockSpec((64, 128), rep),
            pl.BlockSpec((1, 128), rep),
        ],
        out_specs=pl.BlockSpec((_QB, 128), lambda i: (i, 0)),
        out_shape=jax.ShapeDtypeStruct((_BQ, 128), jnp.float32),
    )(xgp, qe, em, ws, wc, wd, b0, w1, b1, wg, bg)


def kernel(x, pos, batch, locW0, locb0, locW1, locb1, gloW0, glob0):
    N = pos.shape[0]
    n_samples = int(math.ceil(_RATIO * N))
    idx, pos_qp = _fps(pos, n_samples)
    pos_q = pos_qp[:n_samples]
    col = _knn(pos, pos_qp, N)
    colp = col.reshape(-1)

    xpad = jnp.zeros((_FPS_R * _FPS_C, x.shape[1]), jnp.float32).at[:N].set(x)
    tab = pl.pallas_call(
        _xw_body,
        out_shape=jax.ShapeDtypeStruct((_FPS_R * _FPS_C, 128), jnp.float32),
    )(xpad, locW0[: x.shape[1]])
    tab = tab.at[:N, 64:67].set(pos)

    q16 = jnp.zeros((_BQ, 16), jnp.float32).at[:, :3].set(pos_qp)
    qe16 = jnp.broadcast_to(q16[:, None, :], (_BQ, _K, 16)).reshape(_BE, 16)

    xgp = _sc_gather(tab, colp)

    D = x.shape[1]
    freq = (2.0 ** jnp.arange(_NUM_FREQ, dtype=jnp.float32)) * math.pi
    em = jnp.zeros((16, 32), jnp.float32)
    for j in range(3):
        em = em.at[j, j * _NUM_FREQ:(j + 1) * _NUM_FREQ].set(freq)
    wenc = locW0[D + 3:]
    wenc3 = wenc.reshape(3, _NUM_FREQ, 2, 64)
    ws = jnp.zeros((32, 64), jnp.float32).at[:30].set(
        wenc3[:, :, 0, :].reshape(30, 64))
    wc = jnp.zeros((32, 64), jnp.float32).at[:30].set(
        wenc3[:, :, 1, :].reshape(30, 64))
    wd = jnp.zeros((16, 64), jnp.float32).at[:3].set(locW0[D:D + 3])

    outp = _edge_pipeline(
        xgp, qe16, em, ws, wc, wd,
        locb0.reshape(1, 64), locW1, locb1.reshape(1, 64),
        gloW0, glob0.reshape(1, 128))
    return (outp[:n_samples], pos_q, batch[idx])

# --- scband reference (transcript-rebuilt; emitter-appended) ---
"""Pipeline reference for scband-samodule-77713138254055 (READ-ONLY COPY).

The authoritative reference and input builder live on the scoring server;
editing this copy changes nothing except your own understanding.
"""

import jax, jax.numpy as jnp
import numpy as np
import math

RATIO = 0.25
K = 32
NUM_FREQ = 10


def fps(pos, n_samples):
    N = pos.shape[0]
    idx0 = jnp.zeros((n_samples,), dtype=jnp.int32)
    dists0 = jnp.full((N,), jnp.inf, dtype=pos.dtype)
    d_first = jnp.sum((pos - pos[0]) ** 2, axis=-1)
    dists0 = jnp.minimum(dists0, d_first)

    def body(i, state):
        idx, dists = state
        nxt = jnp.argmax(dists).astype(jnp.int32)
        idx = idx.at[i].set(nxt)
        d = jnp.sum((pos - pos[nxt]) ** 2, axis=-1)
        dists = jnp.minimum(dists, d)
        return (idx, dists)

    idx, _ = jax.lax.fori_loop(1, n_samples, body, (idx0, dists0))
    return idx


def knn(pos_all, pos_query, k):
    # squared euclidean distances [M, N] without materializing [M, N, 3]
    qq = jnp.sum(pos_query * pos_query, axis=-1)
    pp = jnp.sum(pos_all * pos_all, axis=-1)
    d2 = qq[:, None] + pp[None, :] - 2.0 * (pos_query @ pos_all.T)
    _, col = jax.lax.top_k(-d2, k)  # [M, k] nearest neighbors
    M = pos_query.shape[0]
    row = jnp.repeat(jnp.arange(M, dtype=jnp.int32), k)
    return row, col.reshape(-1)


def sinusoidal_positional_encoding(coords, num_frequencies=NUM_FREQ):
    freq = (2.0 ** jnp.arange(num_frequencies, dtype=coords.dtype)) * math.pi
    scaled = coords[..., None] * freq  # [..., 3, L]
    s = jnp.sin(scaled)
    c = jnp.cos(scaled)
    enc = jnp.stack([s, c], axis=-1).reshape(coords.shape[:-1] + (-1,))
    return jnp.concatenate([coords, enc], axis=-1)


def mlp(h, weights, biases):
    n = len(weights)
    for i in range(n):
        h = h @ weights[i] + biases[i]
        if i < n - 1:
            h = jax.nn.relu(h)
    return h


def setup_inputs(seed: int = 0) -> dict:
    key = jax.random.key(seed)
    ks = jax.random.split(key, 8)
    N, D = 10000, 128
    x = jax.random.normal(ks[0], (N, D), dtype=jnp.float32)
    pos = jax.random.normal(ks[1], (N, 3), dtype=jnp.float32)
    batch = jnp.zeros((N,), dtype=jnp.int64)
    # local_dims = [191, 64, 64]; global_dims = [64, 128]
    locW0 = jax.random.normal(ks[2], (191, 64), dtype=jnp.float32) * 0.05
    locb0 = jnp.zeros((64,), dtype=jnp.float32)
    locW1 = jax.random.normal(ks[3], (64, 64), dtype=jnp.float32) * 0.05
    locb1 = jnp.zeros((64,), dtype=jnp.float32)
    gloW0 = jax.random.normal(ks[4], (64, 128), dtype=jnp.float32) * 0.05
    glob0 = jnp.zeros((128,), dtype=jnp.float32)
    return {"x": x, "pos": pos, "batch": batch, "locW0": locW0, "locb0": locb0,
            "locW1": locW1, "locb1": locb1, "gloW0": gloW0, "glob0": glob0}


def reference(x, pos, batch, locW0, locb0, locW1, locb1, gloW0, glob0):
    N = pos.shape[0]
    n_samples = int(math.ceil(RATIO * N))
    idx = fps(pos, n_samples)  # [M]
    # batch is all-zeros (single graph), so batched knn == global knn
    row, col = knn(pos, pos[idx], K)  # [M*K], [M*K]
    pos_diff = pos[col] - pos[idx][row]
    pos_enc = sinusoidal_positional_encoding(pos_diff)  # [M*K, 63]
    edge_input = jnp.concatenate([x[col], pos_enc], axis=-1)  # [M*K, 191]
    edge_feat = mlp(edge_input, [locW0, locW1], [locb0, locb1])  # [M*K, 64]
    out = jax.ops.segment_max(edge_feat, row, num_segments=n_samples)  # amax scatter, include_self=False
    out = mlp(out, [gloW0], [glob0])  # [M, 128]
    return (out, pos[idx], batch[idx])

if __name__ == "__main__":
    import jax
    _d = setup_inputs()
    print(jax.jit(kernel)(*tuple(_d.values())))

</pallas_src>

<mosaic_0001>
#map = affine_map<(d0, d1) -> (0, 0)>
#map1 = affine_map<(d0, d1) -> (0)>
module attributes {stable_mosaic.version = 14 : i64} {
  func.func @_sc_gather_body(%arg0: i32, %arg1: i32, %arg2: memref<10240x128xf32, #tpu.memory_space<hbm>>, %arg3: memref<81920xi32, #tpu.memory_space<hbm>>, %arg4: memref<81920x128xf32, #tpu.memory_space<hbm>>, %arg5: memref<128xi32, #tpu.memory_space<vmem>>, %arg6: memref<128x128xf32, #tpu.memory_space<vmem>>, %arg7: memref<!tpu.dma_semaphore, #tpu.memory_space<semaphore_mem>>) attributes {dimension_semantics = [#tpu.dimension_semantics<core_parallel>, #tpu.dimension_semantics<subcore_parallel>], iteration_bounds = array<i64: 2, 16>, scalar_prefetch = 0 : i64, scratch_operands = 3 : i64, tpu.core_type = #tpu.core_type<sc_vector_subcore>, window_params = [{transform_indices = #map}, {transform_indices = #map1}, {transform_indices = #map}]} {
    %mul3A = arith.constant 2 : i32
    %mul3A_0 = arith.muli %arg1, %mul3A : i32
    %add3A = arith.addi %mul3A_0, %arg0 : i32
    %mul3A_1 = arith.constant 2560 : i32
    %mul3A_2 = arith.muli %add3A, %mul3A_1 : i32
    %scan3A = arith.constant 0 : i32
    %scan3A_3 = arith.constant 0 : i32
    %scan3A_4 = arith.constant 20 : i32
    %scan3A_5 = arith.addi %scan3A_3, %scan3A_4 : i32
    %scan3A_6 = arith.constant 1 : i32
    scf.for %scan3A_8 = %scan3A_3 to %scan3A_5 step %scan3A_6  : i32 {
      %mul3A_9 = arith.constant 128 : i32
      %mul3A_10 = arith.muli %scan3A_8, %mul3A_9 : i32
      %add3A_11 = arith.addi %mul3A_2, %mul3A_10 : i32
      "tpu.region"() ({
        %run_scoped3A = tpu.sem_alloc : memref<!tpu.dma_semaphore, #tpu.memory_space<semaphore_mem>>
        %dma_start3A_16 = tpu.memref_slice %arg3[%add3A_11] : memref<81920xi32, #tpu.memory_space<hbm>> -> memref<128xi32, #tpu.memory_space<hbm>>
        %dma_start3A_17 = tpu.memref_slice %arg3[%add3A_11] : memref<81920xi32, #tpu.memory_space<hbm>> -> memref<128xi32, #tpu.memory_space<hbm>>
        tpu.enqueue_dma source(%dma_start3A_17 : memref<128xi32, #tpu.memory_space<hbm>>) target(%arg5 : memref<128xi32, #tpu.memory_space<vmem>>) target_semaphore(%run_scoped3A : memref<!tpu.dma_semaphore, #tpu.memory_space<semaphore_mem>>)
        %dma_wait3A_18 = tpu.memref_slice %arg3[%add3A_11] : memref<81920xi32, #tpu.memory_space<hbm>> -> memref<128xi32, #tpu.memory_space<hbm>>
        %dma_wait3A_19 = tpu.memref_slice %arg3[%add3A_11] : memref<81920xi32, #tpu.memory_space<hbm>> -> memref<128xi32, #tpu.memory_space<hbm>>
        tpu.wait_dma2 semaphore(%run_scoped3A : memref<!tpu.dma_semaphore, #tpu.memory_space<semaphore_mem>>) src(%dma_wait3A_19 : memref<128xi32, #tpu.memory_space<hbm>>) dst(%arg5 : memref<128xi32, #tpu.memory_space<vmem>>)
        tpu.yield
      }) : () -> ()
      %dma_start3A = arith.constant 0 : i32
      %dma_start3A_12 = arith.constant 0 : i32
      %dma_start3A_13 = tpu.memref_slice %arg2[%dma_start3A, %dma_start3A_12] : memref<10240x128xf32, #tpu.memory_space<hbm>> -> memref<10240x128xf32, #tpu.memory_space<hbm>>
      tpu.enqueue_indirect_dma source(%dma_start3A_13 : memref<10240x128xf32, #tpu.memory_space<hbm>>) target(%arg6 : memref<128x128xf32, #tpu.memory_space<vmem>>) offsets(%arg5 : memref<128xi32, #tpu.memory_space<vmem>>) semaphore(%arg7 : memref<!tpu.dma_semaphore, #tpu.memory_space<semaphore_mem>>)
      %dma_wait3A = arith.constant 0 : i32
      %dma_wait3A_14 = arith.constant 0 : i32
      %dma_wait3A_15 = tpu.memref_slice %arg2[%dma_wait3A, %dma_wait3A_14] : memref<10240x128xf32, #tpu.memory_space<hbm>> -> memref<10240x128xf32, #tpu.memory_space<hbm>>
      tpu.wait_indirect_dma semaphore(%arg7 : memref<!tpu.dma_semaphore, #tpu.memory_space<semaphore_mem>>) src(%dma_wait3A_15 : memref<10240x128xf32, #tpu.memory_space<hbm>>) dst(%arg6 : memref<128x128xf32, #tpu.memory_space<vmem>>)
      "tpu.region"() ({
        %run_scoped3A = tpu.sem_alloc : memref<!tpu.dma_semaphore, #tpu.memory_space<semaphore_mem>>
        %dma_start3A_16 = arith.constant 0 : i32
        %dma_start3A_17 = tpu.memref_slice %arg4[%add3A_11, %dma_start3A_16] : memref<81920x128xf32, #tpu.memory_space<hbm>> -> memref<128x128xf32, #tpu.memory_space<hbm>>
        %dma_start3A_18 = arith.constant 0 : i32
        %dma_start3A_19 = tpu.memref_slice %arg4[%add3A_11, %dma_start3A_18] : memref<81920x128xf32, #tpu.memory_space<hbm>> -> memref<128x128xf32, #tpu.memory_space<hbm>>
        tpu.enqueue_dma source(%arg6 : memref<128x128xf32, #tpu.memory_space<vmem>>) target(%dma_start3A_19 : memref<128x128xf32, #tpu.memory_space<hbm>>) target_semaphore(%run_scoped3A : memref<!tpu.dma_semaphore, #tpu.memory_space<semaphore_mem>>)
        %dma_wait3A_20 = arith.constant 0 : i32
        %dma_wait3A_21 = tpu.memref_slice %arg4[%add3A_11, %dma_wait3A_20] : memref<81920x128xf32, #tpu.memory_space<hbm>> -> memref<128x128xf32, #tpu.memory_space<hbm>>
        %dma_wait3A_22 = arith.constant 0 : i32
        %dma_wait3A_23 = tpu.memref_slice %arg4[%add3A_11, %dma_wait3A_22] : memref<81920x128xf32, #tpu.memory_space<hbm>> -> memref<128x128xf32, #tpu.memory_space<hbm>>
        tpu.wait_dma2 semaphore(%run_scoped3A : memref<!tpu.dma_semaphore, #tpu.memory_space<semaphore_mem>>) src(%arg6 : memref<128x128xf32, #tpu.memory_space<vmem>>) dst(%dma_wait3A_23 : memref<128x128xf32, #tpu.memory_space<hbm>>)
        tpu.yield
      }) : () -> ()
    }
    %scan3A_7 = arith.constant 20 : i32
    return
  }
}

module attributes {stable_mosaic.version = 14 : i64} {
  func.func @_xw_body(%arg0: memref<10240x128xf32, #tpu.memory_space<vmem>>, %arg1: memref<128x64xf32, #tpu.memory_space<vmem>>, %arg2: memref<10240x128xf32, #tpu.memory_space<vmem>>) attributes {dimension_semantics = [], scalar_prefetch = 0 : i64, scratch_operands = 0 : i64, tpu.core_type = #tpu.core_type<tc>} {
    %get3A = arith.constant 0 : index
    %get3A_0 = arith.constant 0 : index
    %get3A_1 = vector.load %arg0[%get3A, %get3A_0] : memref<10240x128xf32, #tpu.memory_space<vmem>>, vector<10240x128xf32>
    %get3A_2 = arith.constant 0 : index
    %get3A_3 = arith.constant 0 : index
    %get3A_4 = vector.load %arg1[%get3A_2, %get3A_3] : memref<128x64xf32, #tpu.memory_space<vmem>>, vector<128x64xf32>
    %dot_general3A = arith.constant dense<0.000000e+00> : vector<10240x64xf32>
    %dot_general3A_5 = tpu.matmul %get3A_1, %get3A_4, %dot_general3A {dimension_numbers = #tpu.dot_dimension_numbers<[1], [0], [0], [1], [0, 0, 1, 1], [], []>, transpose_lhs_hint = false} : vector<10240x128xf32>, vector<128x64xf32>, vector<10240x64xf32> -> vector<10240x64xf32>
    %broadcast_in_dim3A = arith.constant 0.000000e+00 : f32
    %broadcast_in_dim3A_6 = vector.broadcast %broadcast_in_dim3A : f32 to vector<10240x64xf32>
    %concatenate3A = tpu.concatenate %dot_general3A_5, %broadcast_in_dim3A_6 in 1 : vector<10240x64xf32>, vector<10240x64xf32> -> vector<10240x128xf32>
    %swap3A = arith.constant 0 : index
    %swap3A_7 = arith.constant 0 : index
    %swap3A_8 = vector.load %arg2[%swap3A, %swap3A_7] : memref<10240x128xf32, #tpu.memory_space<vmem>>, vector<10240x128xf32>
    tpu.vector_store %arg2[%swap3A, %swap3A_7], %concatenate3A {strides = array<i32>} : memref<10240x128xf32, #tpu.memory_space<vmem>>, vector<10240x128xf32>,
    return
  }
}

module attributes {stable_mosaic.version = 14 : i64} {
  func.func @_fps_body(%arg0: memref<3x80x128xf32, #tpu.memory_space<vmem>>, %arg1: memref<10240x8xf32, #tpu.memory_space<vmem>>, %arg2: memref<20x128xi32, #tpu.memory_space<vmem>>, %arg3: memref<20x128xf32, #tpu.memory_space<vmem>>, %arg4: memref<20x128xf32, #tpu.memory_space<vmem>>, %arg5: memref<20x128xf32, #tpu.memory_space<vmem>>) attributes {dimension_semantics = [], scalar_prefetch = 0 : i64, scratch_operands = 0 : i64, tpu.core_type = #tpu.core_type<tc>} {
    %get3A = arith.constant 0 : index
    %get3A_0 = arith.constant 0 : index
    %get3A_1 = arith.constant 0 : index
    %get3A_2 = vector.load %arg0[%get3A, %get3A_0, %get3A_1] : memref<3x80x128xf32, #tpu.memory_space<vmem>>, vector<1x80x128xf32>
    %get3A_3 = vector.shape_cast %get3A_2 : vector<1x80x128xf32> to vector<80x128xf32>
    %get3A_4 = arith.constant 1 : index
    %get3A_5 = arith.constant 0 : index
    %get3A_6 = arith.constant 0 : index
    %get3A_7 = vector.load %arg0[%get3A_4, %get3A_5, %get3A_6] : memref<3x80x128xf32, #tpu.memory_space<vmem>>, vector<1x80x128xf32>
    %get3A_8 = vector.shape_cast %get3A_7 : vector<1x80x128xf32> to vector<80x128xf32>
    %get3A_9 = arith.constant 2 : index
    %get3A_10 = arith.constant 0 : index
    %get3A_11 = arith.constant 0 : index
    %get3A_12 = vector.load %arg0[%get3A_9, %get3A_10, %get3A_11] : memref<3x80x128xf32, #tpu.memory_space<vmem>>, vector<1x80x128xf32>
    %get3A_13 = vector.shape_cast %get3A_12 : vector<1x80x128xf32> to vector<80x128xf32>
    %iota3A = tpu.iota {dimensions = array<i32: 0>} : vector<80x128xi32>
    %mul3A = arith.constant 128 : i32
    %mul3A_14 = vector.broadcast %mul3A : i32 to vector<80x128xi32>
    %mul3A_15 = arith.muli %iota3A, %mul3A_14 : vector<80x128xi32>
    %iota3A_16 = tpu.iota {dimensions = array<i32: 1>} : vector<80x128xi32>
    %add3A = arith.addi %mul3A_15, %iota3A_16 : vector<80x128xi32>
    %iota3A_17 = tpu.iota {dimensions = array<i32: 0>} : vector<20x128xi32>
    %mul3A_18 = arith.constant 128 : i32
    %mul3A_19 = vector.broadcast %mul3A_18 : i32 to vector<20x128xi32>
    %mul3A_20 = arith.muli %iota3A_17, %mul3A_19 : vector<20x128xi32>
    %iota3A_21 = tpu.iota {dimensions = array<i32: 1>} : vector<20x128xi32>
    %add3A_22 = arith.addi %mul3A_20, %iota3A_21 : vector<20x128xi32>
    %lt3A = arith.constant 10000 : i32
    %lt3A_23 = vector.broadcast %lt3A : i32 to vector<80x128xi32>
    %lt3A_24 = arith.cmpi slt, %add3A, %lt3A_23 : vector<80x128xi32>
    %get3A_25 = arith.constant 0 : index
    %get3A_26 = arith.constant 0 : index
    %get3A_27 = vector.load %arg1[%get3A_25, %get3A_26] : memref<10240x8xf32, #tpu.memory_space<vmem>>, vector<1x8xf32>
    %get3A_28 = vector.shape_cast %get3A_27 : vector<1x8xf32> to vector<8xf32>
    %slice3A = vector.extract_strided_slice %get3A_28 {offsets = [0], sizes = [1], strides = [1]} : vector<8xf32> to vector<1xf32>
    %squeeze3A = vector.extract %slice3A[0] : f32 from vector<1xf32>
    %slice3A_29 = vector.extract_strided_slice %get3A_28 {offsets = [1], sizes = [1], strides = [1]} : vector<8xf32> to vector<1xf32>
    %squeeze3A_30 = vector.extract %slice3A_29[0] : f32 from vector<1xf32>
    %slice3A_31 = vector.extract_strided_slice %get3A_28 {offsets = [2], sizes = [1], strides = [1]} : vector<8xf32> to vector<1xf32>
    %squeeze3A_32 = vector.extract %slice3A_31[0] : f32 from vector<1xf32>
    %sub3A = vector.broadcast %squeeze3A : f32 to vector<80x128xf32>
    %sub3A_33 = arith.subf %get3A_3, %sub3A : vector<80x128xf32>
    %sub3A_34 = vector.broadcast %squeeze3A_30 : f32 to vector<80x128xf32>
    %sub3A_35 = arith.subf %get3A_8, %sub3A_34 : vector<80x128xf32>
    %sub3A_36 = vector.broadcast %squeeze3A_32 : f32 to vector<80x128xf32>
    %sub3A_37 = arith.subf %get3A_13, %sub3A_36 : vector<80x128xf32>
    %mul3A_38 = arith.mulf %sub3A_33, %sub3A_33 : vector<80x128xf32>
    %mul3A_39 = arith.mulf %sub3A_35, %sub3A_35 : vector<80x128xf32>
    %add3A_40 = arith.addf %mul3A_38, %mul3A_39 : vector<80x128xf32>
    %mul3A_41 = arith.mulf %sub3A_37, %sub3A_37 : vector<80x128xf32>
    %add3A_42 = arith.addf %add3A_40, %mul3A_41 : vector<80x128xf32>
    %jit3A = arith.constant 0xFF800000 : f32
    %broadcast_in_dim3A = vector.broadcast %jit3A : f32 to vector<80x128xf32>
    %select_n3A = arith.select %lt3A_24, %add3A_42, %broadcast_in_dim3A : vector<80x128xi1>, vector<80x128xf32>
    %broadcast_in_dim3A_43 = arith.constant 0 : i32
    %broadcast_in_dim3A_44 = vector.broadcast %broadcast_in_dim3A_43 : i32 to vector<20x128xi32>
    %eq3A = arith.constant 0 : i32
    %eq3A_45 = vector.broadcast %eq3A : i32 to vector<20x128xi32>
    %eq3A_46 = arith.cmpi eq, %add3A_22, %eq3A_45 : vector<20x128xi32>
    %jit3A_47 = arith.constant 0.000000e+00 : f32
    %broadcast_in_dim3A_48 = vector.broadcast %squeeze3A : f32 to vector<20x128xf32>
    %broadcast_in_dim3A_49 = vector.broadcast %jit3A_47 : f32 to vector<20x128xf32>
    %select_n3A_50 = arith.select %eq3A_46, %broadcast_in_dim3A_48, %broadcast_in_dim3A_49 : vector<20x128xi1>, vector<20x128xf32>
    %jit3A_51 = arith.constant 0.000000e+00 : f32
    %broadcast_in_dim3A_52 = vector.broadcast %squeeze3A_30 : f32 to vector<20x128xf32>
    %broadcast_in_dim3A_53 = vector.broadcast %jit3A_51 : f32 to vector<20x128xf32>
    %select_n3A_54 = arith.select %eq3A_46, %broadcast_in_dim3A_52, %broadcast_in_dim3A_53 : vector<20x128xi1>, vector<20x128xf32>
    %jit3A_55 = arith.constant 0.000000e+00 : f32
    %broadcast_in_dim3A_56 = vector.broadcast %squeeze3A_32 : f32 to vector<20x128xf32>
    %broadcast_in_dim3A_57 = vector.broadcast %jit3A_55 : f32 to vector<20x128xf32>
    %select_n3A_58 = arith.select %eq3A_46, %broadcast_in_dim3A_56, %broadcast_in_dim3A_57 : vector<20x128xi1>, vector<20x128xf32>
    %scan3A = arith.constant 1 : i32
    %scan3A_59 = arith.constant 2499 : i32
    %scan3A_60 = arith.addi %scan3A, %scan3A_59 : i32
    %scan3A_61 = arith.constant 1 : i32
    %scan3A_62:5 = scf.for %scan3A_75 = %scan3A to %scan3A_60 step %scan3A_61 iter_args(%scan3A_76 = %select_n3A, %scan3A_77 = %broadcast_in_dim3A_44, %scan3A_78 = %select_n3A_50, %scan3A_79 = %select_n3A_54, %scan3A_80 = %select_n3A_58) -> (vector<80x128xf32>, vector<20x128xi32>, vector<20x128xf32>, vector<20x128xf32>, vector<20x128xf32>)  : i32 {
      %reduce_max3A = vector.shape_cast %scan3A_76 : vector<80x128xf32> to vector<1x80x128xf32>
      %reduce_max3A_81 = arith.constant dense<0xFF800000> : vector<1xf32>
      %reduce_max3A_82 = vector.multi_reduction <maximumf>, %reduce_max3A, %reduce_max3A_81 [1, 2] : vector<1x80x128xf32> to vector<1xf32>
      %reduce_max3A_83 = vector.shape_cast %reduce_max3A_82 : vector<1xf32> to vector<1x1x1xf32>
      %reduce_max3A_84 = vector.extract %reduce_max3A_83[0, 0, 0] : f32 from vector<1x1x1xf32>
      %eq3A_85 = vector.broadcast %reduce_max3A_84 : f32 to vector<80x128xf32>
      %eq3A_86 = arith.cmpf oeq, %scan3A_76, %eq3A_85 : vector<80x128xf32>
      %jit3A_87 = arith.constant 1073741824 : i32
      %broadcast_in_dim3A_88 = vector.broadcast %jit3A_87 : i32 to vector<80x128xi32>
      %select_n3A_89 = arith.select %eq3A_86, %add3A, %broadcast_in_dim3A_88 : vector<80x128xi1>, vector<80x128xi32>
      %reduce_min3A = vector.shape_cast %select_n3A_89 : vector<80x128xi32> to vector<1x80x128xi32>
      %reduce_min3A_90 = arith.constant dense<2147483647> : vector<1xi32>
      %reduce_min3A_91 = vector.multi_reduction <minsi>, %reduce_min3A, %reduce_min3A_90 [1, 2] : vector<1x80x128xi32> to vector<1xi32>
      %reduce_min3A_92 = vector.shape_cast %reduce_min3A_91 : vector<1xi32> to vector<1x1x1xi32>
      %reduce_min3A_93 = vector.extract %reduce_min3A_92[0, 0, 0] : i32 from vector<1x1x1xi32>
      %get3A_94 = arith.index_cast %reduce_min3A_93 : i32 to index
      %get3A_95 = arith.constant 0 : index
      %get3A_96 = vector.load %arg1[%get3A_94, %get3A_95] : memref<10240x8xf32, #tpu.memory_space<vmem>>, vector<1x8xf32>
      %get3A_97 = vector.shape_cast %get3A_96 : vector<1x8xf32> to vector<8xf32>
      %slice3A_98 = vector.extract_strided_slice %get3A_97 {offsets = [0], sizes = [1], strides = [1]} : vector<8xf32> to vector<1xf32>
      %squeeze3A_99 = vector.extract %slice3A_98[0] : f32 from vector<1xf32>
      %slice3A_100 = vector.extract_strided_slice %get3A_97 {offsets = [1], sizes = [1], strides = [1]} : vector<8xf32> to vector<1xf32>
      %squeeze3A_101 = vector.extract %slice3A_100[0] : f32 from vector<1xf32>
      %slice3A_102 = vector.extract_strided_slice %get3A_97 {offsets = [2], sizes = [1], strides = [1]} : vector<8xf32> to vector<1xf32>
      %squeeze3A_103 = vector.extract %slice3A_102[0] : f32 from vector<1xf32>
      %sub3A_104 = vector.broadcast %squeeze3A_99 : f32 to vector<80x128xf32>
      %sub3A_105 = arith.subf %get3A_3, %sub3A_104 : vector<80x128xf32>
      %sub3A_106 = vector.broadcast %squeeze3A_101 : f32 to vector<80x128xf32>
      %sub3A_107 = arith.subf %get3A_8, %sub3A_106 : vector<80x128xf32>
      %sub3A_108 = vector.broadcast %squeeze3A_103 : f32 to vector<80x128xf32>
      %sub3A_109 = arith.subf %get3A_13, %sub3A_108 : vector<80x128xf32>
      %mul3A_110 = arith.mulf %sub3A_105, %sub3A_105 : vector<80x128xf32>
      %mul3A_111 = arith.mulf %sub3A_107, %sub3A_107 : vector<80x128xf32>
      %add3A_112 = arith.addf %mul3A_110, %mul3A_111 : vector<80x128xf32>
      %mul3A_113 = arith.mulf %sub3A_109, %sub3A_109 : vector<80x128xf32>
      %add3A_114 = arith.addf %add3A_112, %mul3A_113 : vector<80x128xf32>
      %min3A = arith.minimumf %scan3A_76, %add3A_114 : vector<80x128xf32>
      %eq3A_115 = vector.broadcast %scan3A_75 : i32 to vector<20x128xi32>
      %eq3A_116 = arith.cmpi eq, %add3A_22, %eq3A_115 : vector<20x128xi32>
      %broadcast_in_dim3A_117 = vector.broadcast %reduce_min3A_93 : i32 to vector<20x128xi32>
      %select_n3A_118 = arith.select %eq3A_116, %broadcast_in_dim3A_117, %scan3A_77 : vector<20x128xi1>, vector<20x128xi32>
      %broadcast_in_dim3A_119 = vector.broadcast %squeeze3A_99 : f32 to vector<20x128xf32>
      %select_n3A_120 = arith.select %eq3A_116, %broadcast_in_dim3A_119, %scan3A_78 : vector<20x128xi1>, vector<20x128xf32>
      %broadcast_in_dim3A_121 = vector.broadcast %squeeze3A_101 : f32 to vector<20x128xf32>
      %select_n3A_122 = arith.select %eq3A_116, %broadcast_in_dim3A_121, %scan3A_79 : vector<20x128xi1>, vector<20x128xf32>
      %broadcast_in_dim3A_123 = vector.broadcast %squeeze3A_103 : f32 to vector<20x128xf32>
      %select_n3A_124 = arith.select %eq3A_116, %broadcast_in_dim3A_123, %scan3A_80 : vector<20x128xi1>, vector<20x128xf32>
      scf.yield %min3A, %select_n3A_118, %select_n3A_120, %select_n3A_122, %select_n3A_124 : vector<80x128xf32>, vector<20x128xi32>, vector<20x128xf32>, vector<20x128xf32>, vector<20x128xf32>
    }
    %scan3A_63 = arith.constant 2499 : i32
    %swap3A = arith.constant 0 : index
    %swap3A_64 = arith.constant 0 : index
    %swap3A_65 = vector.load %arg2[%swap3A, %swap3A_64] : memref<20x128xi32, #tpu.memory_space<vmem>>, vector<20x128xi32>
    tpu.vector_store %arg2[%swap3A, %swap3A_64], %scan3A_62#1 {strides = array<i32>} : memref<20x128xi32, #tpu.memory_space<vmem>>, vector<20x128xi32>,
    %swap3A_66 = arith.constant 0 : index
    %swap3A_67 = arith.constant 0 : index
    %swap3A_68 = vector.load %arg3[%swap3A_66, %swap3A_67] : memref<20x128xf32, #tpu.memory_space<vmem>>, vector<20x128xf32>
    tpu.vector_store %arg3[%swap3A_66, %swap3A_67], %scan3A_62#2 {strides = array<i32>} : memref<20x128xf32, #tpu.memory_space<vmem>>, vector<20x128xf32>,
    %swap3A_69 = arith.constant 0 : index
    %swap3A_70 = arith.constant 0 : index
    %swap3A_71 = vector.load %arg4[%swap3A_69, %swap3A_70] : memref<20x128xf32, #tpu.memory_space<vmem>>, vector<20x128xf32>
    tpu.vector_store %arg4[%swap3A_69, %swap3A_70], %scan3A_62#3 {strides = array<i32>} : memref<20x128xf32, #tpu.memory_space<vmem>>, vector<20x128xf32>,
    %swap3A_72 = arith.constant 0 : index
    %swap3A_73 = arith.constant 0 : index
    %swap3A_74 = vector.load %arg5[%swap3A_72, %swap3A_73] : memref<20x128xf32, #tpu.memory_space<vmem>>, vector<20x128xf32>
    tpu.vector_store %arg5[%swap3A_72, %swap3A_73], %scan3A_62#4 {strides = array<i32>} : memref<20x128xf32, #tpu.memory_space<vmem>>, vector<20x128xf32>,
    return
  }
}

module attributes {stable_mosaic.version = 14 : i64} {
  func.func @_knn_body(%arg0: i32, %arg1: memref<10240x4xf32, #tpu.memory_space<vmem>>, %arg2: memref<1x1x128xf32, #tpu.memory_space<vmem>>, %arg3: memref<1x1x128xf32, #tpu.memory_space<vmem>>, %arg4: memref<1x1x128xf32, #tpu.memory_space<vmem>>, %arg5: memref<32x128xi32, #tpu.memory_space<vmem>>, %arg6: memref<10240x128xf32, #tpu.memory_space<vmem>>) attributes {dimension_semantics = [#tpu.dimension_semantics<arbitrary>], iteration_bounds = array<i64: 20>, scalar_prefetch = 0 : i64, scratch_operands = 1 : i64, tpu.core_type = #tpu.core_type<tc>, window_params = [{pipeline_mode = #tpu.pipeline_mode<synchronous>, transform_indices = @transform_0, window_bounds = array<i64: 10240, 4>}, {transform_indices = @transform_1, window_bounds = array<i64: 1, 1, 128>}, {transform_indices = @transform_2, window_bounds = array<i64: 1, 1, 128>}, {transform_indices = @transform_3, window_bounds = array<i64: 1, 1, 128>}, {transform_indices = @transform_4, window_bounds = array<i64: 32, 128>}]} {
    %get3A = arith.constant 0 : index
    %get3A_0 = arith.constant 0 : index
    %get3A_1 = vector.load %arg1[%get3A, %get3A_0] : memref<10240x4xf32, #tpu.memory_space<vmem>>, vector<10240x4xf32>
    %get3A_2 = arith.constant 0 : index
    %get3A_3 = arith.constant 0 : index
    %get3A_4 = arith.constant 0 : index
    %get3A_5 = vector.load %arg2[%get3A_2, %get3A_3, %get3A_4] : memref<1x1x128xf32, #tpu.memory_space<vmem>>, vector<1x1x128xf32>
    %get3A_6 = vector.shape_cast %get3A_5 : vector<1x1x128xf32> to vector<1x128xf32>
    %get3A_7 = arith.constant 0 : index
    %get3A_8 = arith.constant 0 : index
    %get3A_9 = arith.constant 0 : index
    %get3A_10 = vector.load %arg3[%get3A_7, %get3A_8, %get3A_9] : memref<1x1x128xf32, #tpu.memory_space<vmem>>, vector<1x1x128xf32>
    %get3A_11 = vector.shape_cast %get3A_10 : vector<1x1x128xf32> to vector<1x128xf32>
    %get3A_12 = arith.constant 0 : index
    %get3A_13 = arith.constant 0 : index
    %get3A_14 = arith.constant 0 : index
    %get3A_15 = vector.load %arg4[%get3A_12, %get3A_13, %get3A_14] : memref<1x1x128xf32, #tpu.memory_space<vmem>>, vector<1x1x128xf32>
    %get3A_16 = vector.shape_cast %get3A_15 : vector<1x1x128xf32> to vector<1x128xf32>
    %broadcast_in_dim3A = arith.constant 0.000000e+00 : f32
    %broadcast_in_dim3A_17 = vector.broadcast %broadcast_in_dim3A : f32 to vector<1x128xf32>
    %concatenate3A = tpu.concatenate %get3A_6, %get3A_11, %get3A_16, %broadcast_in_dim3A_17 in 0 : vector<1x128xf32>, vector<1x128xf32>, vector<1x128xf32>, vector<1x128xf32> -> vector<4x128xf32>
    %mul3A = arith.mulf %get3A_1, %get3A_1 : vector<10240x4xf32>
    %reduce_sum3A = arith.constant dense<0.000000e+00> : vector<10240xf32>
    %reduce_sum3A_18 = vector.multi_reduction <add>, %mul3A, %reduce_sum3A [1] : vector<10240x4xf32> to vector<10240xf32>
    %broadcast_in_dim3A_19 = vector.shape_cast %reduce_sum3A_18 : vector<10240xf32> to vector<10240x1xf32>
    %mul3A_20 = arith.mulf %get3A_6, %get3A_6 : vector<1x128xf32>
    %mul3A_21 = arith.mulf %get3A_11, %get3A_11 : vector<1x128xf32>
    %add3A = arith.addf %mul3A_20, %mul3A_21 : vector<1x128xf32>
    %mul3A_22 = arith.mulf %get3A_16, %get3A_16 : vector<1x128xf32>
    %add3A_23 = arith.addf %add3A, %mul3A_22 : vector<1x128xf32>
    %dot_general3A = arith.constant dense<0.000000e+00> : vector<10240x128xf32>
    %dot_general3A_24 = tpu.matmul %get3A_1, %concatenate3A, %dot_general3A {dimension_numbers = #tpu.dot_dimension_numbers<[1], [0], [0], [1], [0, 0, 1, 1], [], []>, transpose_lhs_hint = false} : vector<10240x4xf32>, vector<4x128xf32>, vector<10240x128xf32> -> vector<10240x128xf32>
    %add3A_25 = vector.broadcast %broadcast_in_dim3A_19 : vector<10240x1xf32> to vector<10240x128xf32>
    %add3A_26 = vector.broadcast %add3A_23 : vector<1x128xf32> to vector<10240x128xf32>
    %add3A_27 = arith.addf %add3A_25, %add3A_26 : vector<10240x128xf32>
    %mul3A_28 = arith.constant 2.000000e+00 : f32
    %mul3A_29 = vector.broadcast %mul3A_28 : f32 to vector<10240x128xf32>
    %mul3A_30 = arith.mulf %mul3A_29, %dot_general3A_24 : vector<10240x128xf32>
    %sub3A = arith.subf %add3A_27, %mul3A_30 : vector<10240x128xf32>
    %swap3A = arith.constant 0 : index
    %swap3A_31 = arith.constant 0 : index
    %swap3A_32 = vector.load %arg6[%swap3A, %swap3A_31] : memref<10240x128xf32, #tpu.memory_space<vmem>>, vector<10240x128xf32>
    tpu.vector_store %arg6[%swap3A, %swap3A_31], %sub3A {strides = array<i32>} : memref<10240x128xf32, #tpu.memory_space<vmem>>, vector<10240x128xf32>,
    %iota3A = tpu.iota {dimensions = array<i32: 0>} : vector<10240x128xi32>
    %iota3A_33 = tpu.iota {dimensions = array<i32: 0>} : vector<32x128xi32>
    %broadcast_in_dim3A_34 = arith.constant 0 : i32
    %broadcast_in_dim3A_35 = vector.broadcast %broadcast_in_dim3A_34 : i32 to vector<32x128xi32>
    %scan3A = arith.constant 0 : i32
    %scan3A_36 = arith.constant 32 : i32
    %scan3A_37 = arith.addi %scan3A, %scan3A_36 : i32
    %scan3A_38 = arith.constant 1 : i32
    %scan3A_39 = scf.for %scan3A_44 = %scan3A to %scan3A_37 step %scan3A_38 iter_args(%scan3A_45 = %broadcast_in_dim3A_35) -> (vector<32x128xi32>)  : i32 {
      %get3A_46 = arith.constant 0 : index
      %get3A_47 = arith.constant 0 : index
      %get3A_48 = vector.load %arg6[%get3A_46, %get3A_47] : memref<10240x128xf32, #tpu.memory_space<vmem>>, vector<10240x128xf32>
      %argmin3A = tpu.reduce_index %get3A_48 {axis = 0 : i32, kind = #tpu.reduction_kind<arg_min>} : vector<10240x128xf32> -> vector<128xi32>
      %broadcast_in_dim3A_49 = vector.shape_cast %argmin3A : vector<128xi32> to vector<1x128xi32>
      %eq3A = vector.broadcast %broadcast_in_dim3A_49 : vector<1x128xi32> to vector<10240x128xi32>
      %eq3A_50 = arith.cmpi eq, %iota3A, %eq3A : vector<10240x128xi32>
      %jit3A = arith.constant 0x7F800000 : f32
      %broadcast_in_dim3A_51 = vector.broadcast %jit3A : f32 to vector<10240x128xf32>
      %select_n3A = arith.select %eq3A_50, %broadcast_in_dim3A_51, %get3A_48 : vector<10240x128xi1>, vector<10240x128xf32>
      %swap3A_52 = arith.constant 0 : index
      %swap3A_53 = arith.constant 0 : index
      %swap3A_54 = vector.load %arg6[%swap3A_52, %swap3A_53] : memref<10240x128xf32, #tpu.memory_space<vmem>>, vector<10240x128xf32>
      tpu.vector_store %arg6[%swap3A_52, %swap3A_53], %select_n3A {strides = array<i32>} : memref<10240x128xf32, #tpu.memory_space<vmem>>, vector<10240x128xf32>,
      %eq3A_55 = vector.broadcast %scan3A_44 : i32 to vector<32x128xi32>
      %eq3A_56 = arith.cmpi eq, %iota3A_33, %eq3A_55 : vector<32x128xi32>
      %broadcast_in_dim3A_57 = vector.shape_cast %broadcast_in_dim3A_49 : vector<1x128xi32> to vector<1x128xi32>
      %broadcast_in_dim3A_58 = vector.broadcast %broadcast_in_dim3A_57 : vector<1x128xi32> to vector<32x128xi32>
      %select_n3A_59 = arith.select %eq3A_56, %broadcast_in_dim3A_58, %scan3A_45 : vector<32x128xi1>, vector<32x128xi32>
      scf.yield %select_n3A_59 : vector<32x128xi32>
    }
    %scan3A_40 = arith.constant 32 : i32
    %swap3A_41 = arith.constant 0 : index
    %swap3A_42 = arith.constant 0 : index
    %swap3A_43 = vector.load %arg5[%swap3A_41, %swap3A_42] : memref<32x128xi32, #tpu.memory_space<vmem>>, vector<32x128xi32>
    tpu.vector_store %arg5[%swap3A_41, %swap3A_42], %scan3A_39 {strides = array<i32>} : memref<32x128xi32, #tpu.memory_space<vmem>>, vector<32x128xi32>,
    return
  }
  func.func @transform_0(%arg0: i32) -> (i32, i32) {
    %c0_i32 = arith.constant 0 : i32
    %c0_i32_0 = arith.constant 0 : i32
    %c0_i32_1 = arith.constant 0 : i32
    return %c0_i32, %c0_i32_0 : i32, i32
  }
  func.func @transform_1(%arg0: i32) -> (i32, i32, i32) {
    %c0_i32 = arith.constant 0 : i32
    %c0_i32_0 = arith.constant 0 : i32
    %c0_i32_1 = arith.constant 0 : i32
    return %arg0, %c0_i32, %c0_i32_0 : i32, i32, i32
  }
  func.func @transform_2(%arg0: i32) -> (i32, i32, i32) {
    %c0_i32 = arith.constant 0 : i32
    %c0_i32_0 = arith.constant 0 : i32
    %c0_i32_1 = arith.constant 0 : i32
    return %arg0, %c0_i32, %c0_i32_0 : i32, i32, i32
  }
  func.func @transform_3(%arg0: i32) -> (i32, i32, i32) {
    %c0_i32 = arith.constant 0 : i32
    %c0_i32_0 = arith.constant 0 : i32
    %c0_i32_1 = arith.constant 0 : i32
    return %arg0, %c0_i32, %c0_i32_0 : i32, i32, i32
  }
  func.func @transform_4(%arg0: i32) -> (i32, i32) {
    %c0_i32 = arith.constant 0 : i32
    %c0_i32_0 = arith.constant 0 : i32
    return %arg0, %c0_i32 : i32, i32
  }
}

module attributes {stable_mosaic.version = 14 : i64} {
  func.func @_edge_body(%arg0: i32, %arg1: memref<4096x128xf32, #tpu.memory_space<vmem>>, %arg2: memref<4096x16xf32, #tpu.memory_space<vmem>>, %arg3: memref<16x32xf32, #tpu.memory_space<vmem>>, %arg4: memref<32x64xf32, #tpu.memory_space<vmem>>, %arg5: memref<32x64xf32, #tpu.memory_space<vmem>>, %arg6: memref<16x64xf32, #tpu.memory_space<vmem>>, %arg7: memref<1x64xf32, #tpu.memory_space<vmem>>, %arg8: memref<64x64xf32, #tpu.memory_space<vmem>>, %arg9: memref<1x64xf32, #tpu.memory_space<vmem>>, %arg10: memref<64x128xf32, #tpu.memory_space<vmem>>, %arg11: memref<1x128xf32, #tpu.memory_space<vmem>>, %arg12: memref<128x128xf32, #tpu.memory_space<vmem>>) attributes {dimension_semantics = [#tpu.dimension_semantics<arbitrary>], iteration_bounds = array<i64: 20>, scalar_prefetch = 0 : i64, scratch_operands = 0 : i64, tpu.core_type = #tpu.core_type<tc>, window_params = [{transform_indices = @transform_0, window_bounds = array<i64: 4096, 128>}, {transform_indices = @transform_1, window_bounds = array<i64: 4096, 16>}, {pipeline_mode = #tpu.pipeline_mode<synchronous>, transform_indices = @transform_2, window_bounds = array<i64: 16, 32>}, {pipeline_mode = #tpu.pipeline_mode<synchronous>, transform_indices = @transform_3, window_bounds = array<i64: 32, 64>}, {pipeline_mode = #tpu.pipeline_mode<synchronous>, transform_indices = @transform_4, window_bounds = array<i64: 32, 64>}, {pipeline_mode = #tpu.pipeline_mode<synchronous>, transform_indices = @transform_5, window_bounds = array<i64: 16, 64>}, {pipeline_mode = #tpu.pipeline_mode<synchronous>, transform_indices = @transform_6, window_bounds = array<i64: 1, 64>}, {pipeline_mode = #tpu.pipeline_mode<synchronous>, transform_indices = @transform_7, window_bounds = array<i64: 64, 64>}, {pipeline_mode = #tpu.pipeline_mode<synchronous>, transform_indices = @transform_8, window_bounds = array<i64: 1, 64>}, {pipeline_mode = #tpu.pipeline_mode<synchronous>, transform_indices = @transform_9, window_bounds = array<i64: 64, 128>}, {pipeline_mode = #tpu.pipeline_mode<synchronous>, transform_indices = @transform_10, window_bounds = array<i64: 1, 128>}, {transform_indices = @transform_11, window_bounds = array<i64: 128, 128>}]} {
    %get3A = arith.constant 0 : index
    %get3A_0 = arith.constant 0 : index
    %get3A_1 = vector.load %arg1[%get3A, %get3A_0] : memref<4096x128xf32, #tpu.memory_space<vmem>>, vector<4096x128xf32>
    %slice3A = vector.extract_strided_slice %get3A_1 {offsets = [0, 0], sizes = [4096, 64], strides = [1, 1]} : vector<4096x128xf32> to vector<4096x64xf32>
    %slice3A_2 = vector.extract_strided_slice %get3A_1 {offsets = [0, 64], sizes = [4096, 16], strides = [1, 1]} : vector<4096x128xf32> to vector<4096x16xf32>
    %get3A_3 = arith.constant 0 : index
    %get3A_4 = arith.constant 0 : index
    %get3A_5 = vector.load %arg2[%get3A_3, %get3A_4] : memref<4096x16xf32, #tpu.memory_space<vmem>>, vector<4096x16xf32>
    %sub3A = arith.subf %slice3A_2, %get3A_5 : vector<4096x16xf32>
    %get3A_6 = arith.constant 0 : index
    %get3A_7 = arith.constant 0 : index
    %get3A_8 = vector.load %arg3[%get3A_6, %get3A_7] : memref<16x32xf32, #tpu.memory_space<vmem>>, vector<16x32xf32>
    %dot_general3A = arith.constant dense<0.000000e+00> : vector<4096x32xf32>
    %dot_general3A_9 = tpu.matmul %sub3A, %get3A_8, %dot_general3A {dimension_numbers = #tpu.dot_dimension_numbers<[1], [0], [0], [1], [0, 0, 1, 1], [], []>, precision = #tpu.contract_precision<fp32>, transpose_lhs_hint = false} : vector<4096x16xf32>, vector<16x32xf32>, vector<4096x32xf32> -> vector<4096x32xf32>
    %sin3A = math.sin %dot_general3A_9 : vector<4096x32xf32>
    %cos3A = math.cos %dot_general3A_9 : vector<4096x32xf32>
    %get3A_10 = arith.constant 0 : index
    %get3A_11 = arith.constant 0 : index
    %get3A_12 = vector.load %arg4[%get3A_10, %get3A_11] : memref<32x64xf32, #tpu.memory_space<vmem>>, vector<32x64xf32>
    %dot_general3A_13 = arith.constant dense<0.000000e+00> : vector<4096x64xf32>
    %dot_general3A_14 = tpu.matmul %sin3A, %get3A_12, %dot_general3A_13 {dimension_numbers = #tpu.dot_dimension_numbers<[1], [0], [0], [1], [0, 0, 1, 1], [], []>, transpose_lhs_hint = false} : vector<4096x32xf32>, vector<32x64xf32>, vector<4096x64xf32> -> vector<4096x64xf32>
    %add3A = arith.addf %slice3A, %dot_general3A_14 : vector<4096x64xf32>
    %get3A_15 = arith.constant 0 : index
    %get3A_16 = arith.constant 0 : index
    %get3A_17 = vector.load %arg5[%get3A_15, %get3A_16] : memref<32x64xf32, #tpu.memory_space<vmem>>, vector<32x64xf32>
    %dot_general3A_18 = arith.constant dense<0.000000e+00> : vector<4096x64xf32>
    %dot_general3A_19 = tpu.matmul %cos3A, %get3A_17, %dot_general3A_18 {dimension_numbers = #tpu.dot_dimension_numbers<[1], [0], [0], [1], [0, 0, 1, 1], [], []>, transpose_lhs_hint = false} : vector<4096x32xf32>, vector<32x64xf32>, vector<4096x64xf32> -> vector<4096x64xf32>
    %add3A_20 = arith.addf %add3A, %dot_general3A_19 : vector<4096x64xf32>
    %get3A_21 = arith.constant 0 : index
    %get3A_22 = arith.constant 0 : index
    %get3A_23 = vector.load %arg6[%get3A_21, %get3A_22] : memref<16x64xf32, #tpu.memory_space<vmem>>, vector<16x64xf32>
    %dot_general3A_24 = arith.constant dense<0.000000e+00> : vector<4096x64xf32>
    %dot_general3A_25 = tpu.matmul %sub3A, %get3A_23, %dot_general3A_24 {dimension_numbers = #tpu.dot_dimension_numbers<[1], [0], [0], [1], [0, 0, 1, 1], [], []>, precision = #tpu.contract_precision<fp32>, transpose_lhs_hint = false} : vector<4096x16xf32>, vector<16x64xf32>, vector<4096x64xf32> -> vector<4096x64xf32>
    %add3A_26 = arith.addf %add3A_20, %dot_general3A_25 : vector<4096x64xf32>
    %get3A_27 = arith.constant 0 : index
    %get3A_28 = arith.constant 0 : index
    %get3A_29 = vector.load %arg7[%get3A_27, %get3A_28] : memref<1x64xf32, #tpu.memory_space<vmem>>, vector<1x64xf32>
    %add3A_30 = vector.broadcast %get3A_29 : vector<1x64xf32> to vector<4096x64xf32>
    %add3A_31 = arith.addf %add3A_26, %add3A_30 : vector<4096x64xf32>
    %max3A = arith.constant 0.000000e+00 : f32
    %max3A_32 = vector.broadcast %max3A : f32 to vector<4096x64xf32>
    %max3A_33 = arith.maximumf %add3A_31, %max3A_32 : vector<4096x64xf32>
    %get3A_34 = arith.constant 0 : index
    %get3A_35 = arith.constant 0 : index
    %get3A_36 = vector.load %arg8[%get3A_34, %get3A_35] : memref<64x64xf32, #tpu.memory_space<vmem>>, vector<64x64xf32>
    %dot_general3A_37 = arith.constant dense<0.000000e+00> : vector<4096x64xf32>
    %dot_general3A_38 = tpu.matmul %max3A_33, %get3A_36, %dot_general3A_37 {dimension_numbers = #tpu.dot_dimension_numbers<[1], [0], [0], [1], [0, 0, 1, 1], [], []>, transpose_lhs_hint = false} : vector<4096x64xf32>, vector<64x64xf32>, vector<4096x64xf32> -> vector<4096x64xf32>
    %get3A_39 = arith.constant 0 : index
    %get3A_40 = arith.constant 0 : index
    %get3A_41 = vector.load %arg9[%get3A_39, %get3A_40] : memref<1x64xf32, #tpu.memory_space<vmem>>, vector<1x64xf32>
    %add3A_42 = vector.broadcast %get3A_41 : vector<1x64xf32> to vector<4096x64xf32>
    %add3A_43 = arith.addf %dot_general3A_38, %add3A_42 : vector<4096x64xf32>
    %reshape3A = vector.shape_cast %add3A_43 : vector<4096x64xf32> to vector<128x32x64xf32>
    %reduce_max3A = arith.constant dense<0xFF800000> : vector<128x64xf32>
    %reduce_max3A_44 = vector.multi_reduction <maximumf>, %reshape3A, %reduce_max3A [1] : vector<128x32x64xf32> to vector<128x64xf32>
    %get3A_45 = arith.constant 0 : index
    %get3A_46 = arith.constant 0 : index
    %get3A_47 = vector.load %arg10[%get3A_45, %get3A_46] : memref<64x128xf32, #tpu.memory_space<vmem>>, vector<64x128xf32>
    %dot_general3A_48 = arith.constant dense<0.000000e+00> : vector<128x128xf32>
    %dot_general3A_49 = tpu.matmul %reduce_max3A_44, %get3A_47, %dot_general3A_48 {dimension_numbers = #tpu.dot_dimension_numbers<[1], [0], [0], [1], [0, 0, 1, 1], [], []>, transpose_lhs_hint = false} : vector<128x64xf32>, vector<64x128xf32>, vector<128x128xf32> -> vector<128x128xf32>
    %get3A_50 = arith.constant 0 : index
    %get3A_51 = arith.constant 0 : index
    %get3A_52 = vector.load %arg11[%get3A_50, %get3A_51] : memref<1x128xf32, #tpu.memory_space<vmem>>, vector<1x128xf32>
    %add3A_53 = vector.broadcast %get3A_52 : vector<1x128xf32> to vector<128x128xf32>
    %add3A_54 = arith.addf %dot_general3A_49, %add3A_53 : vector<128x128xf32>
    %swap3A = arith.constant 0 : index
    %swap3A_55 = arith.constant 0 : index
    %swap3A_56 = vector.load %arg12[%swap3A, %swap3A_55] : memref<128x128xf32, #tpu.memory_space<vmem>>, vector<128x128xf32>
    tpu.vector_store %arg12[%swap3A, %swap3A_55], %add3A_54 {strides = array<i32>} : memref<128x128xf32, #tpu.memory_space<vmem>>, vector<128x128xf32>,
    return
  }
  func.func @transform_0(%arg0: i32) -> (i32, i32) {
    %c0_i32 = arith.constant 0 : i32
    %c0_i32_0 = arith.constant 0 : i32
    return %arg0, %c0_i32 : i32, i32
  }
  func.func @transform_1(%arg0: i32) -> (i32, i32) {
    %c0_i32 = arith.constant 0 : i32
    %c0_i32_0 = arith.constant 0 : i32
    return %arg0, %c0_i32 : i32, i32
  }
  func.func @transform_2(%arg0: i32) -> (i32, i32) {
    %c0_i32 = arith.constant 0 : i32
    %c0_i32_0 = arith.constant 0 : i32
    %c0_i32_1 = arith.constant 0 : i32
    return %c0_i32, %c0_i32_0 : i32, i32
  }
  func.func @transform_3(%arg0: i32) -> (i32, i32) {
    %c0_i32 = arith.constant 0 : i32
    %c0_i32_0 = arith.constant 0 : i32
    %c0_i32_1 = arith.constant 0 : i32
    return %c0_i32, %c0_i32_0 : i32, i32
  }
  func.func @transform_4(%arg0: i32) -> (i32, i32) {
    %c0_i32 = arith.constant 0 : i32
    %c0_i32_0 = arith.constant 0 : i32
    %c0_i32_1 = arith.constant 0 : i32
    return %c0_i32, %c0_i32_0 : i32, i32
  }
  func.func @transform_5(%arg0: i32) -> (i32, i32) {
    %c0_i32 = arith.constant 0 : i32
    %c0_i32_0 = arith.constant 0 : i32
    %c0_i32_1 = arith.constant 0 : i32
    return %c0_i32, %c0_i32_0 : i32, i32
  }
  func.func @transform_6(%arg0: i32) -> (i32, i32) {
    %c0_i32 = arith.constant 0 : i32
    %c0_i32_0 = arith.constant 0 : i32
    %c0_i32_1 = arith.constant 0 : i32
    return %c0_i32, %c0_i32_0 : i32, i32
  }
  func.func @transform_7(%arg0: i32) -> (i32, i32) {
    %c0_i32 = arith.constant 0 : i32
    %c0_i32_0 = arith.constant 0 : i32
    %c0_i32_1 = arith.constant 0 : i32
    return %c0_i32, %c0_i32_0 : i32, i32
  }
  func.func @transform_8(%arg0: i32) -> (i32, i32) {
    %c0_i32 = arith.constant 0 : i32
    %c0_i32_0 = arith.constant 0 : i32
    %c0_i32_1 = arith.constant 0 : i32
    return %c0_i32, %c0_i32_0 : i32, i32
  }
  func.func @transform_9(%arg0: i32) -> (i32, i32) {
    %c0_i32 = arith.constant 0 : i32
    %c0_i32_0 = arith.constant 0 : i32
    %c0_i32_1 = arith.constant 0 : i32
    return %c0_i32, %c0_i32_0 : i32, i32
  }
  func.func @transform_10(%arg0: i32) -> (i32, i32) {
    %c0_i32 = arith.constant 0 : i32
    %c0_i32_0 = arith.constant 0 : i32
    %c0_i32_1 = arith.constant 0 : i32
    return %c0_i32, %c0_i32_0 : i32, i32
  }
  func.func @transform_11(%arg0: i32) -> (i32, i32) {
    %c0_i32 = arith.constant 0 : i32
    %c0_i32_0 = arith.constant 0 : i32
    return %arg0, %c0_i32 : i32, i32
  }
}

</mosaic_0001>

<sc_bundles>
// kernel: kernel.7.cloned.1.call-start
scs
__scs_entry_jumppad:
0x0: {  	(pc) =	sbr.rel $0x88, $3  }
0x1: {  	(tag) =	ssettag $0x0;
	lr =	simm.s32 $0x1  }
0x2: {  	[smem:$0x3F98] =	sst lr;
	_ =	strace $0xD0000000  }
0x3: {  	_ = 	snop  }
0x4: {  	_ = 	snop  }
0x5: {  	_ = 	snop  }
0x6: {  	_ = 	snop  }
0x7: {  	_ = 	snop  }
__scs_overlays_trampoline_lowered:
0x8: {  	[smem:$0x3FA7] =	sst s0  }
0x9: {  	[smem:$0x3FA8] =	sst s1  }
0xa: {  	[smem:$0x3FA9] =	sst s2  }
0xb: {  	[smem:$0x3FAA] =	sst s3  }
0xc: {  	[smem:$0x3FAB] =	sst s4  }
0xd: {  	[smem:$0x3FAC] =	sst s5  }
0xe: {  	[smem:$0x3FAD] =	sst s6  }
0xf: {  	[smem:$0x3FAE] =	sst s7  }
0x10: {  	[smem:$0x3FAF] =	sst s8  }
0x11: {  	[smem:$0x3FB0] =	sst s9;
	s0 =	simm.s32 @!p0 $0x0  }
0x12: {  	s1 =	sld [smem:$0x3F96];
	s0 =	simm.s32 @p0 $0x1  }
0x13: {  	[smem:$0x3FB1] =	sst s0;
	s0 =	simm.s32 @!p1 $0x0  }
0x14: {  	s2 =	sld [smem:$0x3F95];
	s0 =	simm.s32 @p1 $0x1  }
0x15: {  	[smem:$0x3FB2] =	sst s0;
	s0 =	simm.s32 @!p2 $0x0  }
0x16: {  	s3 =	sld [smem:$0x3FDB];
	s0 =	simm.s32 @p2 $0x1  }
0x17: {  	s4 =	simm.s32 $0x1BF5;
	[smem:$0x3FB4] =	sst s0  }
0x18: {  	s0 =	sld [smem:$0x3F97];
	_ =	swait.ge [sflag:s4], $0x0  }
0x19: {  	s7 =	sld [smem:$0x3F98]  }
0x1a: {  	s8 =	sadd.s32 $0xFFFFE003, lr  }
0x1b: {  	s9 =	sadd.s32 $0xFFFFFEF7, lr;
	s5 =	simm.s32 $0xFFFFFFFF;
	p2 =	slt.u32 s8, $0xFFFFF086  }
0x1c: {  	p1 =	slt.u32 s9, $0xF7A;
	s5 =	simm.s32 @!p2 $0x0  }
0x1d: {  	s5 =	simm.s32 @p1 $0x1;
	p0 =	seq.s32 s7, s2  }
0x1e: {  	s7 =	smul.u32 @!p0 $0xF7A, s2;
	p2 =	seq.s32 @!p0 s5, $0x0  }
0x1f: {  	s9 =	smul.u32 $0xF7A, s1;
	s8 =	simm.s32 @!p0 $0x1BF5;
	p2 =	por !p2, p0  }
0x20: {  	[sflag:s8] =	ssyncset.s32 @!p0 $0xFFFFF086;
	s6 =	sadd.s32 @!p0 s3, s7;
	s7 =	simm.s32 @!p0 $0x108  }
0x21: {  	s3 =	sadd.s32 s3, s9;
	s6 =	sadd.s32 @!p0 $0x88, s6;
	s7 =	simm.s32 @p2 $0x1082  }
0x22: {  	[simem:s7], [sflag:s8] =	dma.local @!p0 [hbm:s6], $0xF7A  }
0x23: {  	s9 =	sor.u32 $0xD0000000, s2;
	s6 =	simm.s32 $0x108;
	_ =	swait.ge @!p0 [sflag:s8], $0x0  }
0x24: {  	s3 =	sadd.s32 $0x88, s3;
	s6 =	simm.s32 @!p1 $0x1082;
	[sflag:s4] =	ssyncset.s32 $0xFFFFF086  }
0x25: {  	[simem:s6], [sflag:s4] =	dma.local [hbm:s3], $0xF7A  }
0x26: {  	[smem:$0x3F98] =	sst s1;
	(tag) =	ssettag s2;
	_ =	strace s9  }
0x27: {  	s1 =	sld [smem:$0x3FA8]  }
0x28: {  	s2 =	sld [smem:$0x3FA9]  }
0x29: {  	s4 =	sld [smem:$0x3FAB]  }
0x2a: {  	p0 =	seq.s32 s5, $0x0;
	s5 =	sld [smem:$0x3FAC]  }
0x2b: {  	s6 =	sld [smem:$0x3FAD]  }
0x2c: {  	s7 =	sld [smem:$0x3FAE]  }
0x2d: {  	s3 =	simm.s32 $0x108;
	s8 =	sld [smem:$0x3FAF]  }
0x2e: {  	s3 =	simm.s32 @!p0 $0x1082;
	s9 =	sld [smem:$0x3FB0]  }
0x2f: {  	lr =	sadd.s32 s0, s3;
	s0 =	sld [smem:$0x3FA7]  }
0x30: {  	s3 =	sld [smem:$0x3FAA]  }
0x31: {  	[smem:$0x3FB3] =	sst s10  }
0x32: {  	s10 =	sld [smem:$0x3FB1];
	_ =	sdelay $0x3  }
0x33: {  	p0 =	seq.s32 s10, $0x1;
	s10 =	sld [smem:$0x3FB3];
	_ =	sdelay $0x3  }
0x34: {  	[smem:$0x3FB3] =	sst s10  }
0x35: {  	s10 =	sld [smem:$0x3FB2];
	_ =	sdelay $0x3  }
0x36: {  	p1 =	seq.s32 s10, $0x1;
	s10 =	sld [smem:$0x3FB3];
	_ =	sdelay $0x3  }
0x37: {  	[smem:$0x3FB3] =	sst s10  }
0x38: {  	s10 =	sld [smem:$0x3FB4]  }
0x39: {  	_ = 	snop;
	(pc) =	sbr.ind lr, $3  }
0x3a: {  	_ = 	snop  }
0x3b: {  	_ = 	snop  }
0x3c: {  	p2 =	seq.s32 s10, $0x1;
	s10 =	sld [smem:$0x3FB3]  }
0x3d: {  	_ =	shalt  }
0x3e: {  	_ =	shalt  }
0x3f: {  	_ =	shalt  }
0x40: {  	_ =	shalt  }
0x41: {  	_ =	shalt  }
0x42: {  	_ =	shalt  }
0x43: {  	_ =	shalt  }
0x44: {  	_ =	shalt  }
0x45: {  	_ =	shalt  }
0x46: {  	_ =	shalt  }
0x47: {  	_ =	shalt  }
0x48: {  	_ =	shalt  }
0x49: {  	_ =	shalt  }
0x4a: {  	_ =	shalt  }
0x4b: {  	_ =	shalt  }
0x4c: {  	_ =	shalt  }
0x4d: {  	_ =	shalt  }
0x4e: {  	_ =	shalt  }
0x4f: {  	_ =	shalt  }
0x50: {  	_ =	shalt  }
0x51: {  	_ =	shalt  }
0x52: {  	_ =	shalt  }
0x53: {  	_ =	shalt  }
0x54: {  	_ =	shalt  }
0x55: {  	_ =	shalt  }
0x56: {  	_ =	shalt  }
0x57: {  	_ =	shalt  }
0x58: {  	_ =	shalt  }
0x59: {  	_ =	shalt  }
0x5a: {  	_ =	shalt  }
0x5b: {  	_ =	shalt  }
0x5c: {  	_ =	shalt  }
0x5d: {  	_ =	shalt  }
0x5e: {  	_ =	shalt  }
0x5f: {  	_ =	shalt  }
0x60: {  	_ =	shalt  }
0x61: {  	_ =	shalt  }
0x62: {  	_ =	shalt  }
0x63: {  	_ =	shalt  }
0x64: {  	_ =	shalt  }
0x65: {  	_ =	shalt  }
0x66: {  	_ =	shalt  }
0x67: {  	_ =	shalt  }
0x68: {  	_ =	shalt  }
0x69: {  	_ =	shalt  }
0x6a: {  	_ =	shalt  }
0x6b: {  	_ =	shalt  }
0x6c: {  	_ =	shalt  }
0x6d: {  	_ =	shalt  }
0x6e: {  	_ =	shalt  }
0x6f: {  	_ =	shalt  }
0x70: {  	_ =	shalt  }
0x71: {  	_ =	shalt  }
0x72: {  	_ =	shalt  }
0x73: {  	_ =	shalt  }
0x74: {  	_ =	shalt  }
0x75: {  	_ =	shalt  }
0x76: {  	_ =	shalt  }
0x77: {  	_ =	shalt  }
0x78: {  	_ =	shalt  }
0x79: {  	_ =	shalt  }
0x7a: {  	_ =	shalt  }
0x7b: {  	_ =	shalt  }
0x7c: {  	_ =	shalt  }
0x7d: {  	_ =	shalt  }
0x7e: {  	_ =	shalt  }
0x7f: {  	_ =	shalt  }
0x80: {  	_ =	shalt  }
0x81: {  	_ =	shalt  }
0x82: {  	_ =	shalt  }
0x83: {  	_ =	shalt  }
0x84: {  	_ =	shalt  }
0x85: {  	_ =	shalt  }
0x86: {  	_ =	shalt  }
0x87: {  	_ =	shalt  }
.Lfunc_end0:
.L_simem_size_0:
called_computation_lowered:
.L_overlay_start_0:
0x88: {  	s2 =	sld [smem:$0x3FD9]  }
0x89: {  	s3 =	sld [smem:$0x3FFE];
	_ =	sdelay $0x1  }
0x8a: {  	s1 =	srdreg.scid  }
0x8b: {  	s0 =	sand.u32 $0x1, s1  }
0x8c: {  	s14 =	sshll.u32 s0, $0xA;
	s2 =	sadd.s32 s3, s2  }
0x8d: {  	s2 =	sadd.s32 s2, s14  }
0x8e: {  	[smem:$0x3FBF] =	sst s2  }
0x8f: {  	_ = 	snop  }
0x90: {  	s2 =	sld [smem:$0x3FD0];
	_ =	sdelay $0x2  }
0x91: {  	s15 =	simm.s32 $0xA;
	s4 =	simm.s32 $0x10  }
0x92: {  	[smem:s4], [sflag:s15] =	dma.local [hbm:s2], $0x1  }
0x93: {  	_ =	swait.eq [sflag:s15], $0x1  }
0x94: {  	[sflag:s15] =	ssyncset.done $0x0  }
0x95: {  	[sflag:s15] =	ssyncadd.s32 $0xFFFFFFFF  }
0x96: {  	s16 =	sld [smem:$0x10];
	(tm) =	ssettm $0x1  }
0x97: {  	s17 =	sld [smem:$0x3FFB];
	_ =	sdelay $0x3  }
0x98: {  	_ =	strace s17  }
0x99: {  	s3 =	sld [smem:$0x3FFC];
	_ =	sdelay $0x3  }
0x9a: {  	_ =	strace s3  }
0x9b: {  	s3 =	sld [smem:$0x3FFD];
	_ =	sdelay $0x3  }
0x9c: {  	_ =	strace s3  }
0x9d: {  	_ =	strace $0x8FFFFFFF  }
0x9e: {  	s18 =	sld [smem:$0x3FDB];
	_ =	sdelay $0x1  }
0x9f: {  	s19 =	simm.s32 $_scs_section_size  }
0xa0: {  	s5 =	simm.s32 $_size__tile_overlayer_lowered;
	s6 =	simm.s32 $_tile_overlayer_lowered  }
0xa1: {  	s22 =	simm.s32 $0x1BFF;
	s21 =	sshll.u32 s6, $0x1;
	s3 =	sadd.s32 s19, s18  }
0xa2: {  	s7 =	simm.s32 $0x0;
	s20 =	sshll.u32 s5, $0x1;
	s5 =	sadd.s32 s21, s3  }
0xa3: {  	[timem:s7], [sflag:s22] =	dma.local [hbm:s5], s20  }
0xa4: {  	_ =	swait.ge [sflag:s22], s20  }
0xa5: {  	s4 =	ssub.s32 $0x0, s20;
	[sflag:s22] =	ssyncset.done $0x0  }
0xa6: {  	[sflag:s22] =	ssyncadd.s32 s4;
	_ =	sdelay $0x1  }
0xa7: {  	s23 =	simm.s32 $0x1B8B  }
0xa8: {  	_ =	swait.ge [sflag:s23], $0x1  }
0xa9: {  	[sflag:s23] =	ssyncset.done $0x0  }
0xaa: {  	s25 =	simm.s32 $0x1B8E;
	s24 =	sld [smem:$0x3FFE];
	[sflag:s23] =	ssyncadd.s32 $0xFFFFFFFF  }
0xab: {  	s26 =	simm.s32 $execute0_lowered;
	[smem:$0x3FD2] =	sst s25  }
0xac: {  	s5 =	sshll.u32 s26, $0x1;
	_ =	strace $0x80000046;
	[dreg:$0x1] =	wrdreg $0xFFFFFFFF  }
0xad: {  	s28 =	simm.s32 $_size_execute0_lowered;
	s3 =	sadd.s32 s3, s5;
	[dreg:$0x0] =	wrdreg $0x0  }
0xae: {  	s5 =	sshll.u32 s28, $0x1;
	[dreg:$0x2] =	wrdreg s3  }
0xaf: {  	[dreg:$0x3] =	wrdreg s5  }
0xb0: {  	[dreg:$0x4] =	wrdreg $0xC0  }
0xb1: {  	_ =	task [dreg:s7], $0x5FFFF  }
0xb2: {  	[dreg:$0x1] =	wrdreg $0xFFFFFFFF  }
0xb3: {  	[dreg:$0x0] =	wrdreg $0x60  }
0xb4: {  	[dreg:$0x2] =	wrdreg s24  }
0xb5: {  	[dreg:$0x3] =	wrdreg s16  }
0xb6: {  	[dreg:$0x4] =	wrdreg $0x9  }
0xb7: {  	_ =	task.clear_ibuf [dreg:s7], $0x5FFFF;
	_ =	strace $0x90000046  }
0xb8: {  	s29 =	simm.s32 $0x9;
	_ =	strace $0x80000048  }
0xb9: {  	_ =	swait.ge [sflag:s29], $0x1  }
0xba: {  	[sflag:s29] =	ssyncadd.s32 $0xFFFFFFFF  }
0xbb: {  	_ =	strace $0x90000048  }
0xbc: {  	_ =	sfence  }
0xbd: {  	s30 =	sld [smem:$0x0];
	_ =	sdelay $0x2  }
0xbe: {  	s31 =	sshll.u32 s1, $0xD;
	s1 =	sshrl.u32 s1, $0x2  }
0xbf: {  	s3 =	sand.u32 $0x4000, s31;
	s1 =	sadd.s32 s1, s30  }
0xc0: {  	s0 =	sor.u32 s3, s0;
	s1 =	sshll.u32 s1, $0x11  }
0xc1: {  	s0 =	sor.u32 s1, s0  }
0xc2: {  	s0 =	sadd.s32 $0x8F2B, s0  }
0xc3: {  	[sflag:s0] =	ssyncadd.remote.s32 $0x1  }
0xc4: {  	_ =	sfence.sel $0xFFFF  }
0xc5: {  	[dreg:$0x0] =	wrdreg $0xFFFFFFFF;
	(pc) =	sbr.abs _section_cstart, $3  }
0xc6: {  	[dreg:$0x1] =	wrdreg $0xFFFFFFFF  }
0xc7: {  	_ =	task.clear_ibuf [dreg:s7], $0x2FFFF;
	_ =	strace $0x9FFFFFFF  }
0xc8: {  	(tm) =	ssettm $0x7FFFFFFF  }
0xc9: {  	_ =	shalt  }
tec
execute0_lowered:
.L_overlay_start_1:
0x0: {  	(tag) =	ssettag $0x1  }
0x1: {  	s3 =	rddreg [dreg:$0x0]  }
0x2: {  	s6 =	rddreg [dreg:$0x1]  }
0x3: {  	s0 =	rddreg [dreg:$0x2];
	s1 =	stileid.u32  }
0x4: {  	s2 =	simm.s32 $0x0;
	s5 =	srdreg.scid;
	s4 =	smul.u32 $0x14000, s1  }
0x5: {  	[smem:$0x7FF] =	sst s2;
	s5 =	sand.u32 $0x1, s5;
	s7 =	smul.u32 $0x1400, s1  }
0x6: {  	_ =	strace $0x80000047;
	s8 =	ssub.s32 $0x2, s5;
	s9 =	smul.u32 $0xA00, s5  }
0x7: {  	s5 =	smul.u32 $0xA000, s5;
	s10 =	sadd.s32 s4, s3;
	s31 =	sshrl.u32 s8, $0x1  }
0x8: {  	s3 =	sadd.s32 $0xE00, s3;
	s4 =	ssub.s32 s8, s31;
	s7 =	sadd.s32 s9, s7  }
0x9: {  	s5 =	sadd.s32 s5, s10;
	s8 =	simm.s32 $0x80;
	s9 =	simm.s32 $0x1  }
0xa: {  	s10 =	simm.s32 $0x0;
	s4 =	smax.u32 s4, $0x1;
	s7 =	sshrl.u32 s7, $0x3  }
0xb: {  	s5 =	sadd.s32 $0x28E00, s5;
	s6 =	sadd.s32 s7, s6;
	s7 =	simm.s32 $0x2  }
.LBB2_1:
0xc: {  	s11 =	sadd.s32 $0x0, s6  }
0xd: {  	[tilespmem:s2], [sflag:$0x2] =	stream.linear.gather [hbm4b:s11+s2], $0x80, $0x38;
	[tilespmem:$0x4080] =	vst v63  }
0xe: {  	_ =	swait.ge [sflag:s7], $0x80  }
0xf: {  	[sflag:s7] =	ssyncset.done $0x0  }
0x10: {  	[sflag:s7] =	ssyncadd.s32 $0xFFFFFF80  }
0x11: {  	[tilespmem:s8], [sflag:$0x1] =	stream.indirect.gather [hbm4b:s3+s8], $0x80, s2, s8, $0xb8;
	[tilespmem:$0x4080] =	vst v63  }
0x12: {  	_ =	swait.ge [sflag:s9], $0x4000  }
0x13: {  	[sflag:s9] =	ssyncset.done $0x0  }
0x14: {  	[sflag:s9] =	ssyncadd.s32 $0xFFFFC000  }
0x15: {  	[hbm4b:s5+s2] =	stream.linear.scatter [tilespmem:s8], [sflag:$0x2], $0x4000, $0x38;
	[tilespmem:$0x4080] =	vst v63  }
0x16: {  	s12 =	simm.s32 $0x10;
	_ =	swait.ge [sflag:s7], $0x4000  }
0x17: {  	s13 =	simm.s32 $0x20;
	s11 =	sadd.s32 $0x800, s5;
	[sflag:s7] =	ssyncset.done $0x0  }
.LBB2_2:
0x18: {  	s14 =	sadd.s32 s12, s6  }
0x19: {  	[sflag:s7] =	ssyncadd.s32 $0xFFFFC000;
	s12 =	smov.u32 s13;
	s15 =	sadd.s32 $0x10, s13  }
0x1a: {  	[tilespmem:s2], [sflag:$0x2] =	stream.linear.gather [hbm4b:s14+s2], $0x80, $0x38;
	[tilespmem:$0x4080] =	vst v63  }
0x1b: {  	p0 =	sne.s32 s13, $0x130;
	_ =	swait.ge [sflag:s7], $0x80  }
0x1c: {  	[sflag:s7] =	ssyncset.done $0x0  }
0x1d: {  	[sflag:s7] =	ssyncadd.s32 $0xFFFFFF80  }
0x1e: {  	[tilespmem:s8], [sflag:$0x1] =	stream.indirect.gather [hbm4b:s3+s8], $0x80, s2, s8, $0xb8;
	[tilespmem:$0x4080] =	vst v63  }
0x1f: {  	_ =	swait.ge [sflag:s9], $0x4000  }
.Ltmp0:
0x20: {  	[sflag:s9] =	ssyncset.done $0x0;
	(pc) =	sbr.rel @p0 .LBB2_2-.Ltmp0, $4  }
0x21: {  	[sflag:s9] =	ssyncadd.s32 $0xFFFFC000  }
0x22: {  	[hbm4b:s11+s2] =	stream.linear.scatter [tilespmem:s8], [sflag:$0x2], $0x4000, $0x38;
	[tilespmem:$0x4080] =	vst v63  }
0x23: {  	_ =	swait.ge [sflag:s7], $0x4000  }
0x24: {  	s13 =	smov.u32 s15;
	s11 =	sadd.s32 $0x800, s11;
	[sflag:s7] =	ssyncset.done $0x0  }
0x25: {  	s12 =	sadd.s32 s12, s6;
	[sflag:s7] =	ssyncadd.s32 $0xFFFFC000  }
0x26: {  	[tilespmem:s2], [sflag:$0x2] =	stream.linear.gather [hbm4b:s12+s2], $0x80, $0x38;
	[tilespmem:$0x4080] =	vst v63  }
0x27: {  	_ =	swait.ge [sflag:s7], $0x80  }
0x28: {  	[sflag:s7] =	ssyncset.done $0x0  }
0x29: {  	[sflag:s7] =	ssyncadd.s32 $0xFFFFFF80  }
0x2a: {  	[tilespmem:s8], [sflag:$0x1] =	stream.indirect.gather [hbm4b:s3+s8], $0x80, s2, s8, $0xb8;
	[tilespmem:$0x4080] =	vst v63  }
0x2b: {  	s10 =	sadd.s32 $0x1, s10;
	_ =	swait.ge [sflag:s9], $0x4000  }
0x2c: {  	p0 =	sne.s32 s10, s4;
	[sflag:s9] =	ssyncset.done $0x0  }
.Ltmp1:
0x2d: {  	[sflag:s9] =	ssyncadd.s32 $0xFFFFC000;
	(pc) =	sbr.rel @p0 .LBB2_1-.Ltmp1, $4  }
0x2e: {  	[hbm4b:s11+s2] =	stream.linear.scatter [tilespmem:s8], [sflag:$0x2], $0x4000, $0x38;
	[tilespmem:$0x4080] =	vst v63  }
0x2f: {  	_ =	swait.ge [sflag:s7], $0x4000  }
0x30: {  	[sflag:s7] =	ssyncset.done $0x0  }
0x31: {  	[sflag:s7] =	ssyncadd.s32 $0xFFFFC000  }
0x32: {  	_ =	sfence.sel $0x180000  }
0x33: {  	[bflag:$0x0] =	sbarrier.arrive $0xFFFF  }
0x34: {  	p0 =	sne.s32 s1, $0x0;
	_ =	strace $0x90000047  }
0x35: {  	s0 =	sadd.s32 @!p0 $0x100000, s0;
	[bflag:$0x2] =	sbarrier.arrive $0xFFFF  }
0x36: {  	[sflag:s0] =	ssyncadd.tile.s32 @!p0 $0x1;
	_ =	shalt  }
.Lfunc_end2:
_tile_overlayer_lowered:
.L_overlay_start_2:
0x37: {  	(tag) =	ssettag $0x2  }
0x38: {  	s0 =	rddreg [dreg:$0x0];
	s2 =	stileid.u32  }
0x39: {  	s1 =	rddreg [dreg:$0x1];
	p0 =	sne.s32 s2, $0x0  }
0x3a: {  	s3 =	rddreg [dreg:$0x2];
	[bflag:$0x3] =	sbarrier.arrive $0xFFFF;
	s2 =	simm.s32 @!p0 $0x1C02  }
0x3b: {  	[timem:s3], [sflag:s2] =	dma.local @!p0 [hbm:s0], s1  }
0x3c: {  	s0 =	simm.s32 @!p0 $0x2  }
0x3d: {  	_ =	swait.ge @!p0 [sflag:s0], s1  }
0x3e: {  	s1 =	ssub.s32 @!p0 $0x0, s1;
	[sflag:s0] =	ssyncset.done @!p0 $0x0  }
0x3f: {  	[sflag:s0] =	ssyncadd.s32 @!p0 s1  }
0x40: {  	[bflag:$0x3] =	sbarrier.arrive $0xFFFF  }
0x41: {  	_ =	shalt  }

</sc_bundles>
